<compile_context>
chip_gen: v7x
topology: tpu7x:2x2x1
jax: 0.10.2.dev20260603
libtpu: 0.0.44.dev20260713+nightly
codegen_flags: <defaults>
</compile_context>

<pallas_src>
import functools

import jax
import jax.numpy as jnp
from jax import lax
from jax.experimental import pallas as pl
from jax.experimental.pallas import tpu as pltpu
from jax.experimental.pallas import tpu_sc as plsc

_NUM_CORES = 2
_NUM_SUBCORES = 16
_NUM_WORKERS = _NUM_CORES * _NUM_SUBCORES

_CHUNK = 416
_DP = 128


@functools.partial(jax.jit, static_argnums=(2,))
def _gather_call(x, index, b):
    rows_per_worker = b // _NUM_WORKERS
    nch = rows_per_worker // _CHUNK
    xp = jnp.pad(x, ((0, 0), (0, _DP - x.shape[1])))
    mesh = plsc.VectorSubcoreMesh(
        core_axis_name="c",
        subcore_axis_name="s",
        num_cores=_NUM_CORES,
        num_subcores=_NUM_SUBCORES,
    )

    @functools.partial(
        pl.kernel,
        out_type=jax.ShapeDtypeStruct((b, _DP), jnp.float32),
        mesh=mesh,
        compiler_params=pltpu.CompilerParams(use_tc_tiling_on_sc=True),
        scratch_types=[
            pltpu.VMEM((_CHUNK,), jnp.int32),
            pltpu.VMEM((_CHUNK,), jnp.int32),
            pltpu.VMEM((_CHUNK, _DP), jnp.float32),
            pltpu.VMEM((_CHUNK, _DP), jnp.float32),
            pltpu.SemaphoreType.DMA,
            pltpu.SemaphoreType.DMA,
            pltpu.SemaphoreType.DMA,
            pltpu.SemaphoreType.DMA,
        ],
    )
    def gather_kernel(x_hbm, idx_hbm, out_hbm, idx0, idx1, rows0, rows1,
                      gsem0, gsem1, osem0, osem1):
        wid = lax.axis_index("s") * _NUM_CORES + lax.axis_index("c")
        base = wid * rows_per_worker
        idx_b = (idx0, idx1)
        rows_b = (rows0, rows1)
        gsem_b = (gsem0, gsem1)
        osem_b = (osem0, osem1)

        def load_and_gather(g, slot):
            off = base + g * _CHUNK
            pltpu.sync_copy(idx_hbm.at[pl.ds(off, _CHUNK)], idx_b[slot])
            pltpu.async_copy(x_hbm.at[idx_b[slot]], rows_b[slot], gsem_b[slot])

        load_and_gather(0, 0)
        load_and_gather(1, 1)

        @pl.loop(0, nch // 2 - 1)
        def _ring(h):
            g = 2 * h
            for slot in range(2):
                gcur = g + slot
                pltpu.make_async_copy(
                    x_hbm.at[idx_b[slot]], rows_b[slot], gsem_b[slot]).wait()
                pltpu.async_copy(
                    rows_b[slot],
                    out_hbm.at[pl.ds(base + gcur * _CHUNK, _CHUNK)],
                    osem_b[slot])
                pltpu.make_async_copy(
                    rows_b[slot],
                    out_hbm.at[pl.ds(base + gcur * _CHUNK, _CHUNK)],
                    osem_b[slot]).wait()
                load_and_gather(gcur + 2, slot)

        for slot in range(2):
            gcur = nch - 2 + slot
            pltpu.make_async_copy(
                x_hbm.at[idx_b[slot]], rows_b[slot], gsem_b[slot]).wait()
            pltpu.sync_copy(
                rows_b[slot], out_hbm.at[pl.ds(base + gcur * _CHUNK, _CHUNK)])

    return gather_kernel(xp, index)


def kernel(x, dim, index):
    del dim
    b = index.shape[0]
    d = x.shape[1]
    return _gather_call(x, index, b)[:, :d]

# --- scband reference (transcript-rebuilt; emitter-appended) ---
"""Pipeline reference for scband-index-select-module-80745385165124 (READ-ONLY COPY).

The authoritative reference and input builder live on the scoring server;
editing this copy changes nothing except your own understanding.
"""

import jax, jax.numpy as jnp
import numpy as np


def setup_inputs(seed: int = 0) -> dict:
    key = jax.random.key(seed)
    k1, k2 = jax.random.split(key)
    x = jax.random.normal(k1, (1000000, 64), dtype=jnp.float32)
    index = jax.random.randint(k2, (425984,), 0, 1000000, dtype=jnp.int32)
    return {"x": x, "dim": 0, "index": index}


def reference(x, dim, index):
    # torch.index_select(x, dim=dim, index=index) == jnp.take(x, index, axis=dim)
    index = index + jnp.asarray(dim * 0, dtype=index.dtype)
    return jnp.take(x, index, axis=0)

if __name__ == "__main__":
    import jax
    _d = setup_inputs()
    print(jax.jit(kernel)(*tuple(_d.values())))

</pallas_src>

<mosaic_0001>
#map = affine_map<(d0, d1) -> (0, 0)>
#map1 = affine_map<(d0, d1) -> (0)>
module attributes {stable_mosaic.version = 14 : i64} {
  func.func @gather_kernel(%arg0: i32, %arg1: i32, %arg2: memref<1000000x128xf32, #tpu.memory_space<hbm>>, %arg3: memref<425984xi32, #tpu.memory_space<hbm>>, %arg4: memref<425984x128xf32, #tpu.memory_space<hbm>>, %arg5: memref<416xi32, #tpu.memory_space<vmem>>, %arg6: memref<416xi32, #tpu.memory_space<vmem>>, %arg7: memref<416x128xf32, #tpu.memory_space<vmem>>, %arg8: memref<416x128xf32, #tpu.memory_space<vmem>>, %arg9: memref<!tpu.dma_semaphore, #tpu.memory_space<semaphore_mem>>, %arg10: memref<!tpu.dma_semaphore, #tpu.memory_space<semaphore_mem>>, %arg11: memref<!tpu.dma_semaphore, #tpu.memory_space<semaphore_mem>>, %arg12: memref<!tpu.dma_semaphore, #tpu.memory_space<semaphore_mem>>) attributes {dimension_semantics = [#tpu.dimension_semantics<core_parallel>, #tpu.dimension_semantics<subcore_parallel>], iteration_bounds = array<i64: 2, 16>, scalar_prefetch = 0 : i64, scratch_operands = 8 : i64, tpu.core_type = #tpu.core_type<sc_vector_subcore>, window_params = [{transform_indices = #map}, {transform_indices = #map1}, {transform_indices = #map}]} {
    %mul3A = arith.constant 2 : i32
    %mul3A_0 = arith.muli %arg1, %mul3A : i32
    %add3A = arith.addi %mul3A_0, %arg0 : i32
    %mul3A_1 = arith.constant 13312 : i32
    %mul3A_2 = arith.muli %add3A, %mul3A_1 : i32
    %add3A_3 = arith.constant 0 : i32
    %add3A_4 = arith.addi %mul3A_2, %add3A_3 : i32
    "tpu.region"() ({
      %run_scoped3A = tpu.sem_alloc : memref<!tpu.dma_semaphore, #tpu.memory_space<semaphore_mem>>
      %dma_start3A_25 = tpu.memref_slice %arg3[%add3A_4] : memref<425984xi32, #tpu.memory_space<hbm>> -> memref<416xi32, #tpu.memory_space<hbm>>
      %dma_start3A_26 = tpu.memref_slice %arg3[%add3A_4] : memref<425984xi32, #tpu.memory_space<hbm>> -> memref<416xi32, #tpu.memory_space<hbm>>
      tpu.enqueue_dma source(%dma_start3A_26 : memref<416xi32, #tpu.memory_space<hbm>>) target(%arg5 : memref<416xi32, #tpu.memory_space<vmem>>) target_semaphore(%run_scoped3A : memref<!tpu.dma_semaphore, #tpu.memory_space<semaphore_mem>>)
      %dma_wait3A_27 = tpu.memref_slice %arg3[%add3A_4] : memref<425984xi32, #tpu.memory_space<hbm>> -> memref<416xi32, #tpu.memory_space<hbm>>
      %dma_wait3A_28 = tpu.memref_slice %arg3[%add3A_4] : memref<425984xi32, #tpu.memory_space<hbm>> -> memref<416xi32, #tpu.memory_space<hbm>>
      tpu.wait_dma2 semaphore(%run_scoped3A : memref<!tpu.dma_semaphore, #tpu.memory_space<semaphore_mem>>) src(%dma_wait3A_28 : memref<416xi32, #tpu.memory_space<hbm>>) dst(%arg5 : memref<416xi32, #tpu.memory_space<vmem>>)
      tpu.yield
    }) : () -> ()
    %dma_start3A = arith.constant 0 : i32
    %dma_start3A_5 = arith.constant 0 : i32
    %dma_start3A_6 = tpu.memref_slice %arg2[%dma_start3A, %dma_start3A_5] : memref<1000000x128xf32, #tpu.memory_space<hbm>> -> memref<1000000x128xf32, #tpu.memory_space<hbm>>
    tpu.enqueue_indirect_dma source(%dma_start3A_6 : memref<1000000x128xf32, #tpu.memory_space<hbm>>) target(%arg7 : memref<416x128xf32, #tpu.memory_space<vmem>>) offsets(%arg5 : memref<416xi32, #tpu.memory_space<vmem>>) semaphore(%arg9 : memref<!tpu.dma_semaphore, #tpu.memory_space<semaphore_mem>>)
    %add3A_7 = arith.constant 416 : i32
    %add3A_8 = arith.addi %mul3A_2, %add3A_7 : i32
    "tpu.region"() ({
      %run_scoped3A = tpu.sem_alloc : memref<!tpu.dma_semaphore, #tpu.memory_space<semaphore_mem>>
      %dma_start3A_25 = tpu.memref_slice %arg3[%add3A_8] : memref<425984xi32, #tpu.memory_space<hbm>> -> memref<416xi32, #tpu.memory_space<hbm>>
      %dma_start3A_26 = tpu.memref_slice %arg3[%add3A_8] : memref<425984xi32, #tpu.memory_space<hbm>> -> memref<416xi32, #tpu.memory_space<hbm>>
      tpu.enqueue_dma source(%dma_start3A_26 : memref<416xi32, #tpu.memory_space<hbm>>) target(%arg6 : memref<416xi32, #tpu.memory_space<vmem>>) target_semaphore(%run_scoped3A : memref<!tpu.dma_semaphore, #tpu.memory_space<semaphore_mem>>)
      %dma_wait3A_27 = tpu.memref_slice %arg3[%add3A_8] : memref<425984xi32, #tpu.memory_space<hbm>> -> memref<416xi32, #tpu.memory_space<hbm>>
      %dma_wait3A_28 = tpu.memref_slice %arg3[%add3A_8] : memref<425984xi32, #tpu.memory_space<hbm>> -> memref<416xi32, #tpu.memory_space<hbm>>
      tpu.wait_dma2 semaphore(%run_scoped3A : memref<!tpu.dma_semaphore, #tpu.memory_space<semaphore_mem>>) src(%dma_wait3A_28 : memref<416xi32, #tpu.memory_space<hbm>>) dst(%arg6 : memref<416xi32, #tpu.memory_space<vmem>>)
      tpu.yield
    }) : () -> ()
    %dma_start3A_9 = arith.constant 0 : i32
    %dma_start3A_10 = arith.constant 0 : i32
    %dma_start3A_11 = tpu.memref_slice %arg2[%dma_start3A_9, %dma_start3A_10] : memref<1000000x128xf32, #tpu.memory_space<hbm>> -> memref<1000000x128xf32, #tpu.memory_space<hbm>>
    tpu.enqueue_indirect_dma source(%dma_start3A_11 : memref<1000000x128xf32, #tpu.memory_space<hbm>>) target(%arg8 : memref<416x128xf32, #tpu.memory_space<vmem>>) offsets(%arg6 : memref<416xi32, #tpu.memory_space<vmem>>) semaphore(%arg10 : memref<!tpu.dma_semaphore, #tpu.memory_space<semaphore_mem>>)
    %scan3A = arith.constant 0 : i32
    %scan3A_12 = arith.constant 15 : i32
    %scan3A_13 = arith.addi %scan3A, %scan3A_12 : i32
    %scan3A_14 = arith.constant 1 : i32
    scf.for %scan3A_25 = %scan3A to %scan3A_13 step %scan3A_14  : i32 {
      %mul3A_26 = arith.constant 1 : i32
      %mul3A_27 = arith.muli %scan3A_25, %mul3A_26 : i32
      %add3A_28 = arith.constant 0 : i32
      %add3A_29 = arith.addi %add3A_28, %mul3A_27 : i32
      %mul3A_30 = arith.constant 2 : i32
      %mul3A_31 = arith.muli %mul3A_30, %add3A_29 : i32
      %add3A_32 = arith.constant 0 : i32
      %add3A_33 = arith.addi %mul3A_31, %add3A_32 : i32
      %dma_wait3A_34 = arith.constant 0 : i32
      %dma_wait3A_35 = arith.constant 0 : i32
      %dma_wait3A_36 = tpu.memref_slice %arg2[%dma_wait3A_34, %dma_wait3A_35] : memref<1000000x128xf32, #tpu.memory_space<hbm>> -> memref<1000000x128xf32, #tpu.memory_space<hbm>>
      tpu.wait_indirect_dma semaphore(%arg9 : memref<!tpu.dma_semaphore, #tpu.memory_space<semaphore_mem>>) src(%dma_wait3A_36 : memref<1000000x128xf32, #tpu.memory_space<hbm>>) dst(%arg7 : memref<416x128xf32, #tpu.memory_space<vmem>>)
      %mul3A_37 = arith.constant 416 : i32
      %mul3A_38 = arith.muli %add3A_33, %mul3A_37 : i32
      %add3A_39 = arith.addi %mul3A_2, %mul3A_38 : i32
      %dma_start3A_40 = arith.constant 0 : i32
      %dma_start3A_41 = tpu.memref_slice %arg4[%add3A_39, %dma_start3A_40] : memref<425984x128xf32, #tpu.memory_space<hbm>> -> memref<416x128xf32, #tpu.memory_space<hbm>>
      %dma_start3A_42 = arith.constant 0 : i32
      %dma_start3A_43 = tpu.memref_slice %arg4[%add3A_39, %dma_start3A_42] : memref<425984x128xf32, #tpu.memory_space<hbm>> -> memref<416x128xf32, #tpu.memory_space<hbm>>
      tpu.enqueue_dma source(%arg7 : memref<416x128xf32, #tpu.memory_space<vmem>>) target(%dma_start3A_43 : memref<416x128xf32, #tpu.memory_space<hbm>>) target_semaphore(%arg11 : memref<!tpu.dma_semaphore, #tpu.memory_space<semaphore_mem>>)
      %mul3A_44 = arith.constant 416 : i32
      %mul3A_45 = arith.muli %add3A_33, %mul3A_44 : i32
      %add3A_46 = arith.addi %mul3A_2, %mul3A_45 : i32
      %dma_wait3A_47 = arith.constant 0 : i32
      %dma_wait3A_48 = tpu.memref_slice %arg4[%add3A_46, %dma_wait3A_47] : memref<425984x128xf32, #tpu.memory_space<hbm>> -> memref<416x128xf32, #tpu.memory_space<hbm>>
      %dma_wait3A_49 = arith.constant 0 : i32
      %dma_wait3A_50 = tpu.memref_slice %arg4[%add3A_46, %dma_wait3A_49] : memref<425984x128xf32, #tpu.memory_space<hbm>> -> memref<416x128xf32, #tpu.memory_space<hbm>>
      tpu.wait_dma2 semaphore(%arg11 : memref<!tpu.dma_semaphore, #tpu.memory_space<semaphore_mem>>) src(%arg7 : memref<416x128xf32, #tpu.memory_space<vmem>>) dst(%dma_wait3A_50 : memref<416x128xf32, #tpu.memory_space<hbm>>)
      %add3A_51 = arith.constant 2 : i32
      %add3A_52 = arith.addi %add3A_33, %add3A_51 : i32
      %mul3A_53 = arith.constant 416 : i32
      %mul3A_54 = arith.muli %add3A_52, %mul3A_53 : i32
      %add3A_55 = arith.addi %mul3A_2, %mul3A_54 : i32
      "tpu.region"() ({
        %run_scoped3A = tpu.sem_alloc : memref<!tpu.dma_semaphore, #tpu.memory_space<semaphore_mem>>
        %dma_start3A_86 = tpu.memref_slice %arg3[%add3A_55] : memref<425984xi32, #tpu.memory_space<hbm>> -> memref<416xi32, #tpu.memory_space<hbm>>
        %dma_start3A_87 = tpu.memref_slice %arg3[%add3A_55] : memref<425984xi32, #tpu.memory_space<hbm>> -> memref<416xi32, #tpu.memory_space<hbm>>
        tpu.enqueue_dma source(%dma_start3A_87 : memref<416xi32, #tpu.memory_space<hbm>>) target(%arg5 : memref<416xi32, #tpu.memory_space<vmem>>) target_semaphore(%run_scoped3A : memref<!tpu.dma_semaphore, #tpu.memory_space<semaphore_mem>>)
        %dma_wait3A_88 = tpu.memref_slice %arg3[%add3A_55] : memref<425984xi32, #tpu.memory_space<hbm>> -> memref<416xi32, #tpu.memory_space<hbm>>
        %dma_wait3A_89 = tpu.memref_slice %arg3[%add3A_55] : memref<425984xi32, #tpu.memory_space<hbm>> -> memref<416xi32, #tpu.memory_space<hbm>>
        tpu.wait_dma2 semaphore(%run_scoped3A : memref<!tpu.dma_semaphore, #tpu.memory_space<semaphore_mem>>) src(%dma_wait3A_89 : memref<416xi32, #tpu.memory_space<hbm>>) dst(%arg5 : memref<416xi32, #tpu.memory_space<vmem>>)
        tpu.yield
      }) : () -> ()
      %dma_start3A_56 = arith.constant 0 : i32
      %dma_start3A_57 = arith.constant 0 : i32
      %dma_start3A_58 = tpu.memref_slice %arg2[%dma_start3A_56, %dma_start3A_57] : memref<1000000x128xf32, #tpu.memory_space<hbm>> -> memref<1000000x128xf32, #tpu.memory_space<hbm>>
      tpu.enqueue_indirect_dma source(%dma_start3A_58 : memref<1000000x128xf32, #tpu.memory_space<hbm>>) target(%arg7 : memref<416x128xf32, #tpu.memory_space<vmem>>) offsets(%arg5 : memref<416xi32, #tpu.memory_space<vmem>>) semaphore(%arg9 : memref<!tpu.dma_semaphore, #tpu.memory_space<semaphore_mem>>)
      %add3A_59 = arith.constant 1 : i32
      %add3A_60 = arith.addi %mul3A_31, %add3A_59 : i32
      %dma_wait3A_61 = arith.constant 0 : i32
      %dma_wait3A_62 = arith.constant 0 : i32
      %dma_wait3A_63 = tpu.memref_slice %arg2[%dma_wait3A_61, %dma_wait3A_62] : memref<1000000x128xf32, #tpu.memory_space<hbm>> -> memref<1000000x128xf32, #tpu.memory_space<hbm>>
      tpu.wait_indirect_dma semaphore(%arg10 : memref<!tpu.dma_semaphore, #tpu.memory_space<semaphore_mem>>) src(%dma_wait3A_63 : memref<1000000x128xf32, #tpu.memory_space<hbm>>) dst(%arg8 : memref<416x128xf32, #tpu.memory_space<vmem>>)
      %mul3A_64 = arith.constant 416 : i32
      %mul3A_65 = arith.muli %add3A_60, %mul3A_64 : i32
      %add3A_66 = arith.addi %mul3A_2, %mul3A_65 : i32
      %dma_start3A_67 = arith.constant 0 : i32
      %dma_start3A_68 = tpu.memref_slice %arg4[%add3A_66, %dma_start3A_67] : memref<425984x128xf32, #tpu.memory_space<hbm>> -> memref<416x128xf32, #tpu.memory_space<hbm>>
      %dma_start3A_69 = arith.constant 0 : i32
      %dma_start3A_70 = tpu.memref_slice %arg4[%add3A_66, %dma_start3A_69] : memref<425984x128xf32, #tpu.memory_space<hbm>> -> memref<416x128xf32, #tpu.memory_space<hbm>>
      tpu.enqueue_dma source(%arg8 : memref<416x128xf32, #tpu.memory_space<vmem>>) target(%dma_start3A_70 : memref<416x128xf32, #tpu.memory_space<hbm>>) target_semaphore(%arg12 : memref<!tpu.dma_semaphore, #tpu.memory_space<semaphore_mem>>)
      %mul3A_71 = arith.constant 416 : i32
      %mul3A_72 = arith.muli %add3A_60, %mul3A_71 : i32
      %add3A_73 = arith.addi %mul3A_2, %mul3A_72 : i32
      %dma_wait3A_74 = arith.constant 0 : i32
      %dma_wait3A_75 = tpu.memref_slice %arg4[%add3A_73, %dma_wait3A_74] : memref<425984x128xf32, #tpu.memory_space<hbm>> -> memref<416x128xf32, #tpu.memory_space<hbm>>
      %dma_wait3A_76 = arith.constant 0 : i32
      %dma_wait3A_77 = tpu.memref_slice %arg4[%add3A_73, %dma_wait3A_76] : memref<425984x128xf32, #tpu.memory_space<hbm>> -> memref<416x128xf32, #tpu.memory_space<hbm>>
      tpu.wait_dma2 semaphore(%arg12 : memref<!tpu.dma_semaphore, #tpu.memory_space<semaphore_mem>>) src(%arg8 : memref<416x128xf32, #tpu.memory_space<vmem>>) dst(%dma_wait3A_77 : memref<416x128xf32, #tpu.memory_space<hbm>>)
      %add3A_78 = arith.constant 2 : i32
      %add3A_79 = arith.addi %add3A_60, %add3A_78 : i32
      %mul3A_80 = arith.constant 416 : i32
      %mul3A_81 = arith.muli %add3A_79, %mul3A_80 : i32
      %add3A_82 = arith.addi %mul3A_2, %mul3A_81 : i32
      "tpu.region"() ({
        %run_scoped3A = tpu.sem_alloc : memref<!tpu.dma_semaphore, #tpu.memory_space<semaphore_mem>>
        %dma_start3A_86 = tpu.memref_slice %arg3[%add3A_82] : memref<425984xi32, #tpu.memory_space<hbm>> -> memref<416xi32, #tpu.memory_space<hbm>>
        %dma_start3A_87 = tpu.memref_slice %arg3[%add3A_82] : memref<425984xi32, #tpu.memory_space<hbm>> -> memref<416xi32, #tpu.memory_space<hbm>>
        tpu.enqueue_dma source(%dma_start3A_87 : memref<416xi32, #tpu.memory_space<hbm>>) target(%arg6 : memref<416xi32, #tpu.memory_space<vmem>>) target_semaphore(%run_scoped3A : memref<!tpu.dma_semaphore, #tpu.memory_space<semaphore_mem>>)
        %dma_wait3A_88 = tpu.memref_slice %arg3[%add3A_82] : memref<425984xi32, #tpu.memory_space<hbm>> -> memref<416xi32, #tpu.memory_space<hbm>>
        %dma_wait3A_89 = tpu.memref_slice %arg3[%add3A_82] : memref<425984xi32, #tpu.memory_space<hbm>> -> memref<416xi32, #tpu.memory_space<hbm>>
        tpu.wait_dma2 semaphore(%run_scoped3A : memref<!tpu.dma_semaphore, #tpu.memory_space<semaphore_mem>>) src(%dma_wait3A_89 : memref<416xi32, #tpu.memory_space<hbm>>) dst(%arg6 : memref<416xi32, #tpu.memory_space<vmem>>)
        tpu.yield
      }) : () -> ()
      %dma_start3A_83 = arith.constant 0 : i32
      %dma_start3A_84 = arith.constant 0 : i32
      %dma_start3A_85 = tpu.memref_slice %arg2[%dma_start3A_83, %dma_start3A_84] : memref<1000000x128xf32, #tpu.memory_space<hbm>> -> memref<1000000x128xf32, #tpu.memory_space<hbm>>
      tpu.enqueue_indirect_dma source(%dma_start3A_85 : memref<1000000x128xf32, #tpu.memory_space<hbm>>) target(%arg8 : memref<416x128xf32, #tpu.memory_space<vmem>>) offsets(%arg6 : memref<416xi32, #tpu.memory_space<vmem>>) semaphore(%arg10 : memref<!tpu.dma_semaphore, #tpu.memory_space<semaphore_mem>>)
    }
    %scan3A_15 = arith.constant 15 : i32
    %dma_wait3A = arith.constant 0 : i32
    %dma_wait3A_16 = arith.constant 0 : i32
    %dma_wait3A_17 = tpu.memref_slice %arg2[%dma_wait3A, %dma_wait3A_16] : memref<1000000x128xf32, #tpu.memory_space<hbm>> -> memref<1000000x128xf32, #tpu.memory_space<hbm>>
    tpu.wait_indirect_dma semaphore(%arg9 : memref<!tpu.dma_semaphore, #tpu.memory_space<semaphore_mem>>) src(%dma_wait3A_17 : memref<1000000x128xf32, #tpu.memory_space<hbm>>) dst(%arg7 : memref<416x128xf32, #tpu.memory_space<vmem>>)
    %add3A_18 = arith.constant 12480 : i32
    %add3A_19 = arith.addi %mul3A_2, %add3A_18 : i32
    "tpu.region"() ({
      %run_scoped3A = tpu.sem_alloc : memref<!tpu.dma_semaphore, #tpu.memory_space<semaphore_mem>>
      %dma_start3A_25 = arith.constant 0 : i32
      %dma_start3A_26 = tpu.memref_slice %arg4[%add3A_19, %dma_start3A_25] : memref<425984x128xf32, #tpu.memory_space<hbm>> -> memref<416x128xf32, #tpu.memory_space<hbm>>
      %dma_start3A_27 = arith.constant 0 : i32
      %dma_start3A_28 = tpu.memref_slice %arg4[%add3A_19, %dma_start3A_27] : memref<425984x128xf32, #tpu.memory_space<hbm>> -> memref<416x128xf32, #tpu.memory_space<hbm>>
      tpu.enqueue_dma source(%arg7 : memref<416x128xf32, #tpu.memory_space<vmem>>) target(%dma_start3A_28 : memref<416x128xf32, #tpu.memory_space<hbm>>) target_semaphore(%run_scoped3A : memref<!tpu.dma_semaphore, #tpu.memory_space<semaphore_mem>>)
      %dma_wait3A_29 = arith.constant 0 : i32
      %dma_wait3A_30 = tpu.memref_slice %arg4[%add3A_19, %dma_wait3A_29] : memref<425984x128xf32, #tpu.memory_space<hbm>> -> memref<416x128xf32, #tpu.memory_space<hbm>>
      %dma_wait3A_31 = arith.constant 0 : i32
      %dma_wait3A_32 = tpu.memref_slice %arg4[%add3A_19, %dma_wait3A_31] : memref<425984x128xf32, #tpu.memory_space<hbm>> -> memref<416x128xf32, #tpu.memory_space<hbm>>
      tpu.wait_dma2 semaphore(%run_scoped3A : memref<!tpu.dma_semaphore, #tpu.memory_space<semaphore_mem>>) src(%arg7 : memref<416x128xf32, #tpu.memory_space<vmem>>) dst(%dma_wait3A_32 : memref<416x128xf32, #tpu.memory_space<hbm>>)
      tpu.yield
    }) : () -> ()
    %dma_wait3A_20 = arith.constant 0 : i32
    %dma_wait3A_21 = arith.constant 0 : i32
    %dma_wait3A_22 = tpu.memref_slice %arg2[%dma_wait3A_20, %dma_wait3A_21] : memref<1000000x128xf32, #tpu.memory_space<hbm>> -> memref<1000000x128xf32, #tpu.memory_space<hbm>>
    tpu.wait_indirect_dma semaphore(%arg10 : memref<!tpu.dma_semaphore, #tpu.memory_space<semaphore_mem>>) src(%dma_wait3A_22 : memref<1000000x128xf32, #tpu.memory_space<hbm>>) dst(%arg8 : memref<416x128xf32, #tpu.memory_space<vmem>>)
    %add3A_23 = arith.constant 12896 : i32
    %add3A_24 = arith.addi %mul3A_2, %add3A_23 : i32
    "tpu.region"() ({
      %run_scoped3A = tpu.sem_alloc : memref<!tpu.dma_semaphore, #tpu.memory_space<semaphore_mem>>
      %dma_start3A_25 = arith.constant 0 : i32
      %dma_start3A_26 = tpu.memref_slice %arg4[%add3A_24, %dma_start3A_25] : memref<425984x128xf32, #tpu.memory_space<hbm>> -> memref<416x128xf32, #tpu.memory_space<hbm>>
      %dma_start3A_27 = arith.constant 0 : i32
      %dma_start3A_28 = tpu.memref_slice %arg4[%add3A_24, %dma_start3A_27] : memref<425984x128xf32, #tpu.memory_space<hbm>> -> memref<416x128xf32, #tpu.memory_space<hbm>>
      tpu.enqueue_dma source(%arg8 : memref<416x128xf32, #tpu.memory_space<vmem>>) target(%dma_start3A_28 : memref<416x128xf32, #tpu.memory_space<hbm>>) target_semaphore(%run_scoped3A : memref<!tpu.dma_semaphore, #tpu.memory_space<semaphore_mem>>)
      %dma_wait3A_29 = arith.constant 0 : i32
      %dma_wait3A_30 = tpu.memref_slice %arg4[%add3A_24, %dma_wait3A_29] : memref<425984x128xf32, #tpu.memory_space<hbm>> -> memref<416x128xf32, #tpu.memory_space<hbm>>
      %dma_wait3A_31 = arith.constant 0 : i32
      %dma_wait3A_32 = tpu.memref_slice %arg4[%add3A_24, %dma_wait3A_31] : memref<425984x128xf32, #tpu.memory_space<hbm>> -> memref<416x128xf32, #tpu.memory_space<hbm>>
      tpu.wait_dma2 semaphore(%run_scoped3A : memref<!tpu.dma_semaphore, #tpu.memory_space<semaphore_mem>>) src(%arg8 : memref<416x128xf32, #tpu.memory_space<vmem>>) dst(%dma_wait3A_32 : memref<416x128xf32, #tpu.memory_space<hbm>>)
      tpu.yield
    }) : () -> ()
    return
  }
}

</mosaic_0001>

<sc_bundles>
// kernel: _gather_call.3.cloned.1.call-start
scs
__scs_entry_jumppad:
0x0: {  	(pc) =	sbr.rel $0x88, $3  }
0x1: {  	(tag) =	ssettag $0x0;
	lr =	simm.s32 $0x1  }
0x2: {  	[smem:$0x3F9F] =	sst lr;
	_ =	strace $0xD0000000  }
0x3: {  	_ = 	snop  }
0x4: {  	_ = 	snop  }
0x5: {  	_ = 	snop  }
0x6: {  	_ = 	snop  }
0x7: {  	_ = 	snop  }
__scs_overlays_trampoline_lowered:
0x8: {  	[smem:$0x3FAE] =	sst s0  }
0x9: {  	[smem:$0x3FAF] =	sst s1  }
0xa: {  	[smem:$0x3FB0] =	sst s2  }
0xb: {  	[smem:$0x3FB1] =	sst s3  }
0xc: {  	[smem:$0x3FB2] =	sst s4  }
0xd: {  	[smem:$0x3FB3] =	sst s5  }
0xe: {  	[smem:$0x3FB4] =	sst s6  }
0xf: {  	[smem:$0x3FB5] =	sst s7  }
0x10: {  	[smem:$0x3FB6] =	sst s8  }
0x11: {  	[smem:$0x3FB7] =	sst s9;
	s0 =	simm.s32 @!p0 $0x0  }
0x12: {  	s1 =	sld [smem:$0x3F9D];
	s0 =	simm.s32 @p0 $0x1  }
0x13: {  	[smem:$0x3FB8] =	sst s0;
	s0 =	simm.s32 @!p1 $0x0  }
0x14: {  	s2 =	sld [smem:$0x3F9C];
	s0 =	simm.s32 @p1 $0x1  }
0x15: {  	[smem:$0x3FB9] =	sst s0;
	s0 =	simm.s32 @!p2 $0x0  }
0x16: {  	s3 =	sld [smem:$0x3FDB];
	s0 =	simm.s32 @p2 $0x1  }
0x17: {  	s4 =	simm.s32 $0x1BF5;
	[smem:$0x3FBB] =	sst s0  }
0x18: {  	s0 =	sld [smem:$0x3F9E];
	_ =	swait.ge [sflag:s4], $0x0  }
0x19: {  	s7 =	sld [smem:$0x3F9F]  }
0x1a: {  	s8 =	sadd.s32 $0xFFFFE003, lr  }
0x1b: {  	s9 =	sadd.s32 $0xFFFFFEF7, lr;
	s5 =	simm.s32 $0xFFFFFFFF;
	p2 =	slt.u32 s8, $0xFFFFF086  }
0x1c: {  	p1 =	slt.u32 s9, $0xF7A;
	s5 =	simm.s32 @!p2 $0x0  }
0x1d: {  	s5 =	simm.s32 @p1 $0x1;
	p0 =	seq.s32 s7, s2  }
0x1e: {  	s7 =	smul.u32 @!p0 $0xF7A, s2;
	p2 =	seq.s32 @!p0 s5, $0x0  }
0x1f: {  	s9 =	smul.u32 $0xF7A, s1;
	s8 =	simm.s32 @!p0 $0x1BF5;
	p2 =	por !p2, p0  }
0x20: {  	[sflag:s8] =	ssyncset.s32 @!p0 $0xFFFFF086;
	s6 =	sadd.s32 @!p0 s3, s7;
	s7 =	simm.s32 @!p0 $0x108  }
0x21: {  	s3 =	sadd.s32 s3, s9;
	s6 =	sadd.s32 @!p0 $0x88, s6;
	s7 =	simm.s32 @p2 $0x1082  }
0x22: {  	[simem:s7], [sflag:s8] =	dma.local @!p0 [hbm:s6], $0xF7A  }
0x23: {  	s9 =	sor.u32 $0xD0000000, s2;
	s6 =	simm.s32 $0x108;
	_ =	swait.ge @!p0 [sflag:s8], $0x0  }
0x24: {  	s3 =	sadd.s32 $0x88, s3;
	s6 =	simm.s32 @!p1 $0x1082;
	[sflag:s4] =	ssyncset.s32 $0xFFFFF086  }
0x25: {  	[simem:s6], [sflag:s4] =	dma.local [hbm:s3], $0xF7A  }
0x26: {  	[smem:$0x3F9F] =	sst s1;
	(tag) =	ssettag s2;
	_ =	strace s9  }
0x27: {  	s1 =	sld [smem:$0x3FAF]  }
0x28: {  	s2 =	sld [smem:$0x3FB0]  }
0x29: {  	s4 =	sld [smem:$0x3FB2]  }
0x2a: {  	p0 =	seq.s32 s5, $0x0;
	s5 =	sld [smem:$0x3FB3]  }
0x2b: {  	s6 =	sld [smem:$0x3FB4]  }
0x2c: {  	s7 =	sld [smem:$0x3FB5]  }
0x2d: {  	s3 =	simm.s32 $0x108;
	s8 =	sld [smem:$0x3FB6]  }
0x2e: {  	s3 =	simm.s32 @!p0 $0x1082;
	s9 =	sld [smem:$0x3FB7]  }
0x2f: {  	lr =	sadd.s32 s0, s3;
	s0 =	sld [smem:$0x3FAE]  }
0x30: {  	s3 =	sld [smem:$0x3FB1]  }
0x31: {  	[smem:$0x3FBA] =	sst s10  }
0x32: {  	s10 =	sld [smem:$0x3FB8];
	_ =	sdelay $0x3  }
0x33: {  	p0 =	seq.s32 s10, $0x1;
	s10 =	sld [smem:$0x3FBA];
	_ =	sdelay $0x3  }
0x34: {  	[smem:$0x3FBA] =	sst s10  }
0x35: {  	s10 =	sld [smem:$0x3FB9];
	_ =	sdelay $0x3  }
0x36: {  	p1 =	seq.s32 s10, $0x1;
	s10 =	sld [smem:$0x3FBA];
	_ =	sdelay $0x3  }
0x37: {  	[smem:$0x3FBA] =	sst s10  }
0x38: {  	s10 =	sld [smem:$0x3FBB]  }
0x39: {  	_ = 	snop;
	(pc) =	sbr.ind lr, $3  }
0x3a: {  	_ = 	snop  }
0x3b: {  	_ = 	snop  }
0x3c: {  	p2 =	seq.s32 s10, $0x1;
	s10 =	sld [smem:$0x3FBA]  }
0x3d: {  	_ =	shalt  }
0x3e: {  	_ =	shalt  }
0x3f: {  	_ =	shalt  }
0x40: {  	_ =	shalt  }
0x41: {  	_ =	shalt  }
0x42: {  	_ =	shalt  }
0x43: {  	_ =	shalt  }
0x44: {  	_ =	shalt  }
0x45: {  	_ =	shalt  }
0x46: {  	_ =	shalt  }
0x47: {  	_ =	shalt  }
0x48: {  	_ =	shalt  }
0x49: {  	_ =	shalt  }
0x4a: {  	_ =	shalt  }
0x4b: {  	_ =	shalt  }
0x4c: {  	_ =	shalt  }
0x4d: {  	_ =	shalt  }
0x4e: {  	_ =	shalt  }
0x4f: {  	_ =	shalt  }
0x50: {  	_ =	shalt  }
0x51: {  	_ =	shalt  }
0x52: {  	_ =	shalt  }
0x53: {  	_ =	shalt  }
0x54: {  	_ =	shalt  }
0x55: {  	_ =	shalt  }
0x56: {  	_ =	shalt  }
0x57: {  	_ =	shalt  }
0x58: {  	_ =	shalt  }
0x59: {  	_ =	shalt  }
0x5a: {  	_ =	shalt  }
0x5b: {  	_ =	shalt  }
0x5c: {  	_ =	shalt  }
0x5d: {  	_ =	shalt  }
0x5e: {  	_ =	shalt  }
0x5f: {  	_ =	shalt  }
0x60: {  	_ =	shalt  }
0x61: {  	_ =	shalt  }
0x62: {  	_ =	shalt  }
0x63: {  	_ =	shalt  }
0x64: {  	_ =	shalt  }
0x65: {  	_ =	shalt  }
0x66: {  	_ =	shalt  }
0x67: {  	_ =	shalt  }
0x68: {  	_ =	shalt  }
0x69: {  	_ =	shalt  }
0x6a: {  	_ =	shalt  }
0x6b: {  	_ =	shalt  }
0x6c: {  	_ =	shalt  }
0x6d: {  	_ =	shalt  }
0x6e: {  	_ =	shalt  }
0x6f: {  	_ =	shalt  }
0x70: {  	_ =	shalt  }
0x71: {  	_ =	shalt  }
0x72: {  	_ =	shalt  }
0x73: {  	_ =	shalt  }
0x74: {  	_ =	shalt  }
0x75: {  	_ =	shalt  }
0x76: {  	_ =	shalt  }
0x77: {  	_ =	shalt  }
0x78: {  	_ =	shalt  }
0x79: {  	_ =	shalt  }
0x7a: {  	_ =	shalt  }
0x7b: {  	_ =	shalt  }
0x7c: {  	_ =	shalt  }
0x7d: {  	_ =	shalt  }
0x7e: {  	_ =	shalt  }
0x7f: {  	_ =	shalt  }
0x80: {  	_ =	shalt  }
0x81: {  	_ =	shalt  }
0x82: {  	_ =	shalt  }
0x83: {  	_ =	shalt  }
0x84: {  	_ =	shalt  }
0x85: {  	_ =	shalt  }
0x86: {  	_ =	shalt  }
0x87: {  	_ =	shalt  }
.Lfunc_end0:
.L_simem_size_0:
called_computation_lowered:
.L_overlay_start_0:
0x88: {  	s2 =	sld [smem:$0x3FD9]  }
0x89: {  	s3 =	sld [smem:$0x3FFE];
	_ =	sdelay $0x1  }
0x8a: {  	s1 =	srdreg.scid  }
0x8b: {  	s0 =	sand.u32 $0x1, s1  }
0x8c: {  	s17 =	sshll.u32 s0, $0xA;
	s2 =	sadd.s32 s3, s2  }
0x8d: {  	s2 =	sadd.s32 s2, s17  }
0x8e: {  	[smem:$0x3FC6] =	sst s2  }
0x8f: {  	_ = 	snop  }
0x90: {  	s2 =	sld [smem:$0x3FC8]  }
0x91: {  	s18 =	sld [smem:$0x3FD0];
	(tm) =	ssettm $0x1  }
0x92: {  	s4 =	sld [smem:$0x3FFB];
	_ =	sdelay $0x3  }
0x93: {  	_ =	strace s4  }
0x94: {  	s4 =	sld [smem:$0x3FFC];
	_ =	sdelay $0x3  }
0x95: {  	_ =	strace s4  }
0x96: {  	s4 =	sld [smem:$0x3FFD];
	_ =	sdelay $0x3  }
0x97: {  	_ =	strace s4  }
0x98: {  	_ =	strace $0x8FFFFFFF  }
0x99: {  	s19 =	sld [smem:$0x3FDB];
	_ =	sdelay $0x1  }
0x9a: {  	s5 =	simm.s32 $_scs_section_size  }
0x9b: {  	s6 =	simm.s32 $_size__tile_overlayer_lowered;
	s7 =	simm.s32 $_tile_overlayer_lowered  }
0x9c: {  	s22 =	simm.s32 $0x1BFF;
	s21 =	sshll.u32 s7, $0x1;
	s4 =	sadd.s32 s5, s19  }
0x9d: {  	s8 =	simm.s32 $0x0;
	s20 =	sshll.u32 s6, $0x1;
	s6 =	sadd.s32 s21, s4  }
0x9e: {  	[timem:s8], [sflag:s22] =	dma.local [hbm:s6], s20  }
0x9f: {  	_ =	swait.ge [sflag:s22], s20  }
0xa0: {  	s5 =	ssub.s32 $0x0, s20;
	[sflag:s22] =	ssyncset.done $0x0  }
0xa1: {  	[sflag:s22] =	ssyncadd.s32 s5;
	_ =	sdelay $0x1  }
0xa2: {  	s23 =	simm.s32 $0x1B8B  }
0xa3: {  	_ =	swait.ge [sflag:s23], $0x1  }
0xa4: {  	[sflag:s23] =	ssyncset.done $0x0  }
0xa5: {  	s25 =	simm.s32 $0x1B8E;
	s24 =	sld [smem:$0x3FFE];
	[sflag:s23] =	ssyncadd.s32 $0xFFFFFFFF  }
0xa6: {  	s26 =	simm.s32 $execute0_lowered;
	[smem:$0x3FD2] =	sst s25  }
0xa7: {  	s6 =	sshll.u32 s26, $0x1;
	_ =	strace $0x80000046;
	[dreg:$0x1] =	wrdreg $0xFFFFFFFF  }
0xa8: {  	s28 =	simm.s32 $_size_execute0_lowered;
	s4 =	sadd.s32 s4, s6;
	[dreg:$0x0] =	wrdreg $0x0  }
0xa9: {  	s6 =	sshll.u32 s28, $0x1;
	[dreg:$0x2] =	wrdreg s4  }
0xaa: {  	[dreg:$0x3] =	wrdreg s6  }
0xab: {  	[dreg:$0x4] =	wrdreg $0xC0  }
0xac: {  	_ =	task [dreg:s8], $0x5FFFF  }
0xad: {  	[dreg:$0x1] =	wrdreg $0xFFFFFFFF  }
0xae: {  	[dreg:$0x0] =	wrdreg $0x60  }
0xaf: {  	[dreg:$0x2] =	wrdreg s24  }
0xb0: {  	[dreg:$0x3] =	wrdreg s2  }
0xb1: {  	[dreg:$0x4] =	wrdreg s18  }
0xb2: {  	[dreg:$0x5] =	wrdreg $0x9  }
0xb3: {  	_ =	task.clear_ibuf [dreg:s8], $0x6FFFF;
	_ =	strace $0x90000046  }
0xb4: {  	s29 =	simm.s32 $0x9;
	_ =	strace $0x80000048  }
0xb5: {  	_ =	swait.ge [sflag:s29], $0x1  }
0xb6: {  	[sflag:s29] =	ssyncadd.s32 $0xFFFFFFFF  }
0xb7: {  	_ =	strace $0x90000048  }
0xb8: {  	_ =	sfence  }
0xb9: {  	s30 =	sld [smem:$0x0];
	_ =	sdelay $0x2  }
0xba: {  	s31 =	sshll.u32 s1, $0xD;
	s1 =	sshrl.u32 s1, $0x2  }
0xbb: {  	s3 =	sand.u32 $0x4000, s31;
	s1 =	sadd.s32 s1, s30  }
0xbc: {  	s0 =	sor.u32 s3, s0;
	s1 =	sshll.u32 s1, $0x11  }
0xbd: {  	s0 =	sor.u32 s1, s0  }
0xbe: {  	s0 =	sadd.s32 $0x8F2B, s0  }
0xbf: {  	[sflag:s0] =	ssyncadd.remote.s32 $0x1  }
0xc0: {  	_ =	sfence.sel $0xFFFF  }
0xc1: {  	[dreg:$0x0] =	wrdreg $0xFFFFFFFF;
	(pc) =	sbr.abs _section_cstart, $3  }
0xc2: {  	[dreg:$0x1] =	wrdreg $0xFFFFFFFF  }
0xc3: {  	_ =	task.clear_ibuf [dreg:s8], $0x2FFFF;
	_ =	strace $0x9FFFFFFF  }
0xc4: {  	(tm) =	ssettm $0x7FFFFFFF  }
0xc5: {  	_ =	shalt  }
tec
execute0_lowered:
.L_overlay_start_1:
0x0: {  	(tag) =	ssettag $0x1  }
0x1: {  	s3 =	rddreg [dreg:$0x0]  }
0x2: {  	s1 =	srdreg.scid;
	s11 =	rddreg [dreg:$0x1]  }
0x3: {  	s0 =	stileid.u32;
	s10 =	rddreg [dreg:$0x2]  }
0x4: {  	s2 =	simm.s32 $0x0;
	s16 =	simm.s32 $0xD400;
	s17 =	simm.s32 $0x1  }
0x5: {  	s18 =	simm.s32 $0x3;
	s19 =	simm.s32 $0x2;
	s20 =	simm.s32 $0x4  }
0x6: {  	s21 =	simm.s32 $0x0;
	s9 =	sand.u32 $0x1, s1;
	s12 =	smul.u32 $0x6800, s0  }
0x7: {  	s28 =	sshll.u32 s0, $0x1;
	s1 =	rddreg [dreg:$0x3];
	s29 =	smul.u32 $0x68000, s0  }
0x8: {  	[smem:$0x7FF] =	sst s2;
	s4 =	sor.u32 s9, s28;
	s13 =	smul.u32 $0x3400, s9  }
0x9: {  	s3 =	sadd.s32 $0xF42800, s3;
	s6 =	ssub.s32 $0x2, s9;
	s5 =	smul.u32 $0x3400, s4  }
0xa: {  	_ =	strace $0x80000047;
	s4 =	smul.u32 $0x1A0000, s4;
	s7 =	sshrl.u32 s6, $0x1  }
0xb: {  	s15 =	smul.u32 $0x34000, s9;
	s14 =	ssub.s32 s6, s7;
	s12 =	sadd.s32 s13, s12  }
0xc: {  	s13 =	simm.s32 $0x1A0;
	s5 =	sshrl.u32 s5, $0x3;
	s8 =	sshrl.u32 s4, $0x3  }
0xd: {  	s30 =	sadd.s32 $0x4E0, s12;
	s12 =	sor.u32 $0x340, s12;
	s4 =	sadd.s32 s11, s5  }
0xe: {  	s8 =	sadd.s32 s10, s8;
	s31 =	sshrl.u32 s30, $0x3;
	s10 =	sadd.s32 s29, s10  }
0xf: {  	s12 =	sshrl.u32 s12, $0x3;
	s5 =	sadd.s32 $0x34, s4;
	s6 =	sadd.s32 $0x30C00, s8  }
0x10: {  	s7 =	sadd.s32 $0x32600, s8;
	s8 =	smax.u32 s14, $0x1;
	s9 =	sadd.s32 s31, s11  }
0x11: {  	s10 =	sadd.s32 s15, s10;
	s11 =	sadd.s32 s12, s11;
	s12 =	simm.s32 $0x5  }
0x12: {  	s14 =	simm.s32 $0x400;
	s15 =	simm.s32 $0x200;
	s10 =	sadd.s32 $0x1A00, s10  }
.LBB2_1:
0x13: {  	[tilespmem:s2], [sflag:$0x5] =	stream.linear.gather [hbm4b:s4+s2], $0x1A0, $0x38;
	[tilespmem:$0x1A400] =	vst v63  }
0x14: {  	_ =	swait.ge [sflag:s12], $0x1A0  }
0x15: {  	[sflag:s12] =	ssyncset.done $0x0  }
0x16: {  	[sflag:s12] =	ssyncadd.s32 $0xFFFFFE60  }
0x17: {  	[tilespmem:s14], [sflag:$0x1] =	stream.indirect.gather [hbm4b:s3+s13], $0x80, s2, s13, $0xb8;
	[tilespmem:$0x1A400] =	vst v63  }
0x18: {  	_ = 	snop  }
0x19: {  	[tilespmem:s15], [sflag:$0x5] =	stream.linear.gather [hbm4b:s5+s2], $0x1A0, $0x38;
	[tilespmem:$0x1A400] =	vst v63  }
0x1a: {  	_ =	swait.ge [sflag:s12], $0x1A0  }
0x1b: {  	[sflag:s12] =	ssyncset.done $0x0  }
0x1c: {  	[sflag:s12] =	ssyncadd.s32 $0xFFFFFE60  }
0x1d: {  	[tilespmem:s16], [sflag:$0x2] =	stream.indirect.gather [hbm4b:s3+s13], $0x80, s15, s13, $0xb8;
	[tilespmem:$0x1A400] =	vst v63  }
0x1e: {  	_ =	swait.ge [sflag:s17], $0xD000  }
0x1f: {  	[sflag:s17] =	ssyncset.done $0x0  }
0x20: {  	s22 =	sadd.s32 $0xFFFFE600, s10;
	[sflag:s17] =	ssyncadd.s32 $0xFFFF3000  }
0x21: {  	[hbm4b:s22+s2] =	stream.linear.scatter [tilespmem:s14], [sflag:$0x3], $0xD000, $0x38;
	[tilespmem:$0x1A400] =	vst v63  }
0x22: {  	_ =	swait.ge [sflag:s18], $0xD000  }
0x23: {  	[sflag:s18] =	ssyncset.done $0x0  }
0x24: {  	s30 =	sadd.s32 $0x0, s11;
	[sflag:s18] =	ssyncadd.s32 $0xFFFF3000  }
0x25: {  	[tilespmem:s2], [sflag:$0x5] =	stream.linear.gather [hbm4b:s30+s2], $0x1A0, $0x38;
	[tilespmem:$0x1A400] =	vst v63  }
0x26: {  	_ =	swait.ge [sflag:s12], $0x1A0  }
0x27: {  	[sflag:s12] =	ssyncset.done $0x0  }
0x28: {  	[sflag:s12] =	ssyncadd.s32 $0xFFFFFE60  }
0x29: {  	[tilespmem:s14], [sflag:$0x1] =	stream.indirect.gather [hbm4b:s3+s13], $0x80, s2, s13, $0xb8;
	[tilespmem:$0x1A400] =	vst v63  }
0x2a: {  	_ =	swait.ge [sflag:s19], $0xD000  }
0x2b: {  	[sflag:s19] =	ssyncset.done $0x0  }
0x2c: {  	[sflag:s19] =	ssyncadd.s32 $0xFFFF3000  }
0x2d: {  	[hbm4b:s10+s2] =	stream.linear.scatter [tilespmem:s16], [sflag:$0x4], $0xD000, $0x38;
	[tilespmem:$0x1A400] =	vst v63  }
0x2e: {  	_ =	swait.ge [sflag:s20], $0xD000  }
0x2f: {  	[sflag:s20] =	ssyncset.done $0x0  }
0x30: {  	s31 =	sadd.s32 $0x0, s9;
	[sflag:s20] =	ssyncadd.s32 $0xFFFF3000  }
0x31: {  	[tilespmem:s15], [sflag:$0x5] =	stream.linear.gather [hbm4b:s31+s2], $0x1A0, $0x38;
	[tilespmem:$0x1A400] =	vst v63  }
0x32: {  	_ =	swait.ge [sflag:s12], $0x1A0  }
0x33: {  	[sflag:s12] =	ssyncset.done $0x0  }
0x34: {  	s23 =	sadd.s32 $0x3400, s10;
	s22 =	simm.s32 $0x68;
	[sflag:s12] =	ssyncadd.s32 $0xFFFFFE60  }
.LBB2_2:
0x35: {  	[tilespmem:s16], [sflag:$0x2] =	stream.indirect.gather [hbm4b:s3+s13], $0x80, s15, s13, $0xb8;
	[tilespmem:$0x1A400] =	vst v63  }
0x36: {  	s24 =	smov.u32 s22  }
0x37: {  	p0 =	sne.s32 s22, $0x5B0;
	s22 =	sadd.s32 $0x68, s22;
	_ =	swait.ge [sflag:s17], $0xD000  }
0x38: {  	[sflag:s17] =	ssyncset.done $0x0  }
0x39: {  	s25 =	sadd.s32 $0xFFFFE600, s23;
	[sflag:s17] =	ssyncadd.s32 $0xFFFF3000  }
0x3a: {  	[hbm4b:s25+s2] =	stream.linear.scatter [tilespmem:s14], [sflag:$0x3], $0xD000, $0x38;
	[tilespmem:$0x1A400] =	vst v63  }
0x3b: {  	_ =	swait.ge [sflag:s18], $0xD000  }
0x3c: {  	[sflag:s18] =	ssyncset.done $0x0  }
0x3d: {  	s25 =	sadd.s32 s24, s11;
	[sflag:s18] =	ssyncadd.s32 $0xFFFF3000  }
0x3e: {  	[tilespmem:s2], [sflag:$0x5] =	stream.linear.gather [hbm4b:s25+s2], $0x1A0, $0x38;
	[tilespmem:$0x1A400] =	vst v63  }
0x3f: {  	_ =	swait.ge [sflag:s12], $0x1A0  }
0x40: {  	[sflag:s12] =	ssyncset.done $0x0  }
0x41: {  	[sflag:s12] =	ssyncadd.s32 $0xFFFFFE60  }
0x42: {  	[tilespmem:s14], [sflag:$0x1] =	stream.indirect.gather [hbm4b:s3+s13], $0x80, s2, s13, $0xb8;
	[tilespmem:$0x1A400] =	vst v63  }
0x43: {  	_ =	swait.ge [sflag:s19], $0xD000  }
0x44: {  	[sflag:s19] =	ssyncset.done $0x0  }
0x45: {  	[sflag:s19] =	ssyncadd.s32 $0xFFFF3000  }
0x46: {  	[hbm4b:s23+s2] =	stream.linear.scatter [tilespmem:s16], [sflag:$0x4], $0xD000, $0x38;
	[tilespmem:$0x1A400] =	vst v63  }
0x47: {  	_ =	swait.ge [sflag:s20], $0xD000  }
0x48: {  	[sflag:s20] =	ssyncset.done $0x0  }
.Ltmp0:
0x49: {  	s24 =	sadd.s32 s24, s9;
	[sflag:s20] =	ssyncadd.s32 $0xFFFF3000;
	(pc) =	sbr.rel @p0 .LBB2_2-.Ltmp0, $4  }
0x4a: {  	[tilespmem:s15], [sflag:$0x5] =	stream.linear.gather [hbm4b:s24+s2], $0x1A0, $0x38;
	[tilespmem:$0x1A400] =	vst v63  }
0x4b: {  	_ =	swait.ge [sflag:s12], $0x1A0  }
0x4c: {  	[sflag:s12] =	ssyncset.done $0x0  }
0x4d: {  	s23 =	sadd.s32 $0x3400, s23;
	[sflag:s12] =	ssyncadd.s32 $0xFFFFFE60  }
0x4e: {  	[tilespmem:s16], [sflag:$0x2] =	stream.indirect.gather [hbm4b:s3+s13], $0x80, s15, s13, $0xb8;
	[tilespmem:$0x1A400] =	vst v63  }
0x4f: {  	_ =	swait.ge [sflag:s17], $0xD000  }
0x50: {  	[sflag:s17] =	ssyncset.done $0x0  }
0x51: {  	[sflag:s17] =	ssyncadd.s32 $0xFFFF3000  }
0x52: {  	[hbm4b:s6+s2] =	stream.linear.scatter [tilespmem:s14], [sflag:$0x5], $0xD000, $0x38;
	[tilespmem:$0x1A400] =	vst v63  }
0x53: {  	_ =	swait.ge [sflag:s12], $0xD000  }
0x54: {  	[sflag:s12] =	ssyncset.done $0x0  }
0x55: {  	[sflag:s12] =	ssyncadd.s32 $0xFFFF3000  }
0x56: {  	s21 =	sadd.s32 $0x1, s21;
	_ =	swait.ge [sflag:s19], $0xD000  }
0x57: {  	p0 =	sne.s32 s21, s8;
	[sflag:s19] =	ssyncset.done $0x0  }
.Ltmp1:
0x58: {  	[sflag:s19] =	ssyncadd.s32 $0xFFFF3000;
	(pc) =	sbr.rel @p0 .LBB2_1-.Ltmp1, $4  }
0x59: {  	[hbm4b:s7+s2] =	stream.linear.scatter [tilespmem:s16], [sflag:$0x5], $0xD000, $0x38;
	[tilespmem:$0x1A400] =	vst v63  }
0x5a: {  	_ =	swait.ge [sflag:s12], $0xD000  }
0x5b: {  	[sflag:s12] =	ssyncset.done $0x0  }
0x5c: {  	[sflag:s12] =	ssyncadd.s32 $0xFFFF3000  }
0x5d: {  	_ =	sfence.sel $0x180000  }
0x5e: {  	[bflag:$0x0] =	sbarrier.arrive $0xFFFF  }
0x5f: {  	p0 =	sne.s32 s0, $0x0;
	_ =	strace $0x90000047  }
0x60: {  	s0 =	sadd.s32 @!p0 $0x100000, s1;
	[bflag:$0x2] =	sbarrier.arrive $0xFFFF  }
0x61: {  	[sflag:s0] =	ssyncadd.tile.s32 @!p0 $0x1;
	_ =	shalt  }
.Lfunc_end2:
_tile_overlayer_lowered:
.L_overlay_start_2:
0x62: {  	(tag) =	ssettag $0x2  }
0x63: {  	s0 =	rddreg [dreg:$0x0];
	s2 =	stileid.u32  }
0x64: {  	s1 =	rddreg [dreg:$0x1];
	p0 =	sne.s32 s2, $0x0  }
0x65: {  	s3 =	rddreg [dreg:$0x2];
	[bflag:$0x3] =	sbarrier.arrive $0xFFFF;
	s2 =	simm.s32 @!p0 $0x1C05  }
0x66: {  	[timem:s3], [sflag:s2] =	dma.local @!p0 [hbm:s0], s1  }
0x67: {  	s0 =	simm.s32 @!p0 $0x5  }
0x68: {  	_ =	swait.ge @!p0 [sflag:s0], s1  }
0x69: {  	s1 =	ssub.s32 @!p0 $0x0, s1;
	[sflag:s0] =	ssyncset.done @!p0 $0x0  }
0x6a: {  	[sflag:s0] =	ssyncadd.s32 @!p0 s1  }
0x6b: {  	[bflag:$0x3] =	sbarrier.arrive $0xFFFF  }
0x6c: {  	_ =	shalt  }

</sc_bundles>
